<compile_context>
chip_gen: v7x
topology: tpu7x:2x2x1
jax: 0.10.2.dev20260603
libtpu: 0.0.44.dev20260713+nightly
codegen_flags: <defaults>
</compile_context>

<pallas_src>
import functools

import jax
import jax.numpy as jnp
from jax import lax
from jax.experimental import pallas as pl
from jax.experimental.pallas import tpu as pltpu
from jax.experimental.pallas import tpu_sc as plsc

VOCAB = 100000
EMBED_DIM = 64
BATCH = 4096
NC = 2
NS = 16
NW = NC * NS
COLS_PER_W = EMBED_DIM // NW
LANES = 16
N_CHUNKS = BATCH // LANES


def _sc_col_partials(table_t, head, tail):
    mesh = plsc.VectorSubcoreMesh(core_axis_name="c", subcore_axis_name="s",
                                  num_cores=NC, num_subcores=NS)

    @functools.partial(
        pl.kernel,
        out_type=jax.ShapeDtypeStruct((NW, LANES), jnp.float32),
        mesh=mesh,
        compiler_params=pltpu.CompilerParams(use_tc_tiling_on_sc=True,
                                             needs_layout_passes=False),
        scratch_types=[
            pltpu.VMEM((BATCH,), jnp.int32),
            pltpu.VMEM((BATCH,), jnp.int32),
            pltpu.VMEM((VOCAB,), jnp.float32),
            pltpu.VMEM((LANES,), jnp.float32),
            pltpu.SemaphoreType.DMA,
        ],
    )
    def k(tab_hbm, head_hbm, tail_hbm, out_hbm, hidx_v, tidx_v, col_v, acc_v,
          sem):
        wid = lax.axis_index("s") * NC + lax.axis_index("c")
        c0 = wid * COLS_PER_W
        d0 = pltpu.async_copy(tab_hbm.at[c0], col_v, sem)
        pltpu.sync_copy(head_hbm, hidx_v)
        pltpu.sync_copy(tail_hbm, tidx_v)

        def one_chunk(i, accs):
            a0, a1 = accs
            h0 = plsc.load_gather(col_v, [hidx_v[pl.ds(i * 2 * LANES, LANES)]])
            t0 = plsc.load_gather(col_v, [tidx_v[pl.ds(i * 2 * LANES, LANES)]])
            h1 = plsc.load_gather(
                col_v, [hidx_v[pl.ds((i * 2 + 1) * LANES, LANES)]])
            t1 = plsc.load_gather(
                col_v, [tidx_v[pl.ds((i * 2 + 1) * LANES, LANES)]])
            d0_ = h0 - t0
            d1_ = h1 - t1
            return (a0 + d0_ * d0_, a1 + d1_ * d1_)

        zero = jnp.zeros((LANES,), jnp.float32)
        d0.wait()
        accs = lax.fori_loop(0, N_CHUNKS // 2, one_chunk, (zero, zero))
        for p in range(1, COLS_PER_W):
            pltpu.sync_copy(tab_hbm.at[c0 + p], col_v)
            accs = lax.fori_loop(0, N_CHUNKS // 2, one_chunk, accs)
        acc_v[...] = accs[0] + accs[1]
        pltpu.sync_copy(acc_v, out_hbm.at[wid])

    return k(table_t, head, tail)


def kernel(head, tail, table):
    partials = _sc_col_partials(table.T, head.astype(jnp.int32),
                                tail.astype(jnp.int32))
    return jnp.sqrt(jnp.sum(partials))

# --- scband reference (transcript-rebuilt; emitter-appended) ---
"""Pipeline reference for scband-retrofit-89180700934491 (READ-ONLY COPY).

The authoritative reference and input builder live on the scoring server;
editing this copy changes nothing except your own understanding.
"""

import jax, jax.numpy as jnp
import numpy as np

VOCAB = 100000
EMBED_DIM = 64
BATCH = 4096

def setup_inputs(seed: int = 0) -> dict:
    key = jax.random.key(seed)
    k1, k2, k3 = jax.random.split(key, 3)
    head = jax.random.randint(k1, (BATCH,), 0, VOCAB, dtype=jnp.int64 if jax.config.jax_enable_x64 else jnp.int32)
    tail = jax.random.randint(k2, (BATCH,), 0, VOCAB, dtype=jnp.int64 if jax.config.jax_enable_x64 else jnp.int32)
    table = jax.random.normal(k3, (VOCAB, EMBED_DIM), dtype=jnp.float32)
    return {"head": head, "tail": tail, "table": table}

def reference(head, tail, table):
    # head_embedding = entity_layer(head); tail_embedding = entity_layer(tail)
    head_embedding = jnp.take(table, head, axis=0)
    tail_embedding = jnp.take(table, tail, axis=0)
    # torch.norm(diff, 2) with no dim on a 2D tensor -> Frobenius norm (scalar)
    diff = head_embedding - tail_embedding
    distance = jnp.sqrt(jnp.sum(diff * diff))
    return distance

if __name__ == "__main__":
    import jax
    _d = setup_inputs()
    print(jax.jit(kernel)(*tuple(_d.values())))

</pallas_src>

<mosaic_0001>
#map = affine_map<(d0, d1) -> (0, 0)>
#map1 = affine_map<(d0, d1) -> (0)>
module attributes {stable_mosaic.version = 14 : i64} {
  func.func @k(%arg0: i32, %arg1: i32, %arg2: memref<64x100000xf32, #tpu.memory_space<hbm>>, %arg3: memref<4096xi32, #tpu.memory_space<hbm>>, %arg4: memref<4096xi32, #tpu.memory_space<hbm>>, %arg5: memref<32x16xf32, #tpu.memory_space<hbm>>, %arg6: memref<4096xi32, #tpu.memory_space<vmem>>, %arg7: memref<4096xi32, #tpu.memory_space<vmem>>, %arg8: memref<100000xf32, #tpu.memory_space<vmem>>, %arg9: memref<16xf32, #tpu.memory_space<vmem>>, %arg10: memref<!tpu.dma_semaphore, #tpu.memory_space<semaphore_mem>>) attributes {dimension_semantics = [#tpu.dimension_semantics<core_parallel>, #tpu.dimension_semantics<subcore_parallel>], iteration_bounds = array<i64: 2, 16>, scalar_prefetch = 0 : i64, scratch_operands = 5 : i64, tpu.core_type = #tpu.core_type<sc_vector_subcore>, window_params = [{transform_indices = #map}, {transform_indices = #map1}, {transform_indices = #map1}, {transform_indices = #map}]} {
    %mul3A = arith.constant 2 : i32
    %mul3A_0 = arith.muli %arg1, %mul3A : i32
    %add3A = arith.addi %mul3A_0, %arg0 : i32
    %mul3A_1 = arith.constant 2 : i32
    %mul3A_2 = arith.muli %add3A, %mul3A_1 : i32
    %dma_start3A = arith.constant 0 : i32
    %dma_start3A_3 = tpu.memref_slice %arg2[%mul3A_2, %dma_start3A] : memref<64x100000xf32, #tpu.memory_space<hbm>> -> memref<1x100000xf32, #tpu.memory_space<hbm>>
    %dma_start3A_4 = tpu.memref_squeeze %dma_start3A_3 : memref<1x100000xf32, #tpu.memory_space<hbm>> -> memref<100000xf32, #tpu.memory_space<hbm>>
    %dma_start3A_5 = arith.constant 0 : i32
    %dma_start3A_6 = tpu.memref_slice %arg2[%mul3A_2, %dma_start3A_5] : memref<64x100000xf32, #tpu.memory_space<hbm>> -> memref<1x100000xf32, #tpu.memory_space<hbm>>
    %dma_start3A_7 = tpu.memref_squeeze %dma_start3A_6 : memref<1x100000xf32, #tpu.memory_space<hbm>> -> memref<100000xf32, #tpu.memory_space<hbm>>
    tpu.enqueue_dma source(%dma_start3A_7 : memref<100000xf32, #tpu.memory_space<hbm>>) target(%arg8 : memref<100000xf32, #tpu.memory_space<vmem>>) target_semaphore(%arg10 : memref<!tpu.dma_semaphore, #tpu.memory_space<semaphore_mem>>)
    "tpu.region"() ({
      %run_scoped3A = tpu.sem_alloc : memref<!tpu.dma_semaphore, #tpu.memory_space<semaphore_mem>>
      tpu.enqueue_dma source(%arg3 : memref<4096xi32, #tpu.memory_space<hbm>>) target(%arg6 : memref<4096xi32, #tpu.memory_space<vmem>>) target_semaphore(%run_scoped3A : memref<!tpu.dma_semaphore, #tpu.memory_space<semaphore_mem>>)
      tpu.wait_dma2 semaphore(%run_scoped3A : memref<!tpu.dma_semaphore, #tpu.memory_space<semaphore_mem>>) src(%arg3 : memref<4096xi32, #tpu.memory_space<hbm>>) dst(%arg6 : memref<4096xi32, #tpu.memory_space<vmem>>)
      tpu.yield
    }) : () -> ()
    "tpu.region"() ({
      %run_scoped3A = tpu.sem_alloc : memref<!tpu.dma_semaphore, #tpu.memory_space<semaphore_mem>>
      tpu.enqueue_dma source(%arg4 : memref<4096xi32, #tpu.memory_space<hbm>>) target(%arg7 : memref<4096xi32, #tpu.memory_space<vmem>>) target_semaphore(%run_scoped3A : memref<!tpu.dma_semaphore, #tpu.memory_space<semaphore_mem>>)
      tpu.wait_dma2 semaphore(%run_scoped3A : memref<!tpu.dma_semaphore, #tpu.memory_space<semaphore_mem>>) src(%arg4 : memref<4096xi32, #tpu.memory_space<hbm>>) dst(%arg7 : memref<4096xi32, #tpu.memory_space<vmem>>)
      tpu.yield
    }) : () -> ()
    %broadcast_in_dim3A = arith.constant 0.000000e+00 : f32
    %broadcast_in_dim3A_8 = vector.broadcast %broadcast_in_dim3A : f32 to vector<16xf32>
    %dma_wait3A = arith.constant 0 : i32
    %dma_wait3A_9 = tpu.memref_slice %arg2[%mul3A_2, %dma_wait3A] : memref<64x100000xf32, #tpu.memory_space<hbm>> -> memref<1x100000xf32, #tpu.memory_space<hbm>>
    %dma_wait3A_10 = tpu.memref_squeeze %dma_wait3A_9 : memref<1x100000xf32, #tpu.memory_space<hbm>> -> memref<100000xf32, #tpu.memory_space<hbm>>
    %dma_wait3A_11 = arith.constant 0 : i32
    %dma_wait3A_12 = tpu.memref_slice %arg2[%mul3A_2, %dma_wait3A_11] : memref<64x100000xf32, #tpu.memory_space<hbm>> -> memref<1x100000xf32, #tpu.memory_space<hbm>>
    %dma_wait3A_13 = tpu.memref_squeeze %dma_wait3A_12 : memref<1x100000xf32, #tpu.memory_space<hbm>> -> memref<100000xf32, #tpu.memory_space<hbm>>
    tpu.wait_dma2 semaphore(%arg10 : memref<!tpu.dma_semaphore, #tpu.memory_space<semaphore_mem>>) src(%dma_wait3A_13 : memref<100000xf32, #tpu.memory_space<hbm>>) dst(%arg8 : memref<100000xf32, #tpu.memory_space<vmem>>)
    %scan3A = arith.constant 0 : i32
    %scan3A_14 = arith.constant 128 : i32
    %scan3A_15 = arith.addi %scan3A, %scan3A_14 : i32
    %scan3A_16 = arith.constant 1 : i32
    %scan3A_17:2 = scf.for %scan3A_29 = %scan3A to %scan3A_15 step %scan3A_16 iter_args(%scan3A_30 = %broadcast_in_dim3A_8, %scan3A_31 = %broadcast_in_dim3A_8) -> (vector<16xf32>, vector<16xf32>)  : i32 {
      %mul3A_32 = arith.constant 2 : i32
      %mul3A_33 = arith.muli %scan3A_29, %mul3A_32 : i32
      %mul3A_34 = arith.constant 16 : i32
      %mul3A_35 = arith.muli %mul3A_33, %mul3A_34 : i32
      %get3A = arith.index_cast %mul3A_35 : i32 to index
      %get3A_36 = tpu.vector_load %arg6[%get3A] {strides = array<i32>} : memref<4096xi32, #tpu.memory_space<vmem>>, vector<16xi32>,
      %gather3A = tpu.vector_load_idx %arg8[%get3A_36] : memref<100000xf32, #tpu.memory_space<vmem>>[vector<16xi32>], vector<16xf32>,
      %mul3A_37 = arith.constant 2 : i32
      %mul3A_38 = arith.muli %scan3A_29, %mul3A_37 : i32
      %mul3A_39 = arith.constant 16 : i32
      %mul3A_40 = arith.muli %mul3A_38, %mul3A_39 : i32
      %get3A_41 = arith.index_cast %mul3A_40 : i32 to index
      %get3A_42 = tpu.vector_load %arg7[%get3A_41] {strides = array<i32>} : memref<4096xi32, #tpu.memory_space<vmem>>, vector<16xi32>,
      %gather3A_43 = tpu.vector_load_idx %arg8[%get3A_42] : memref<100000xf32, #tpu.memory_space<vmem>>[vector<16xi32>], vector<16xf32>,
      %mul3A_44 = arith.constant 2 : i32
      %mul3A_45 = arith.muli %scan3A_29, %mul3A_44 : i32
      %add3A_46 = arith.constant 1 : i32
      %add3A_47 = arith.addi %mul3A_45, %add3A_46 : i32
      %mul3A_48 = arith.constant 16 : i32
      %mul3A_49 = arith.muli %add3A_47, %mul3A_48 : i32
      %get3A_50 = arith.index_cast %mul3A_49 : i32 to index
      %get3A_51 = tpu.vector_load %arg6[%get3A_50] {strides = array<i32>} : memref<4096xi32, #tpu.memory_space<vmem>>, vector<16xi32>,
      %gather3A_52 = tpu.vector_load_idx %arg8[%get3A_51] : memref<100000xf32, #tpu.memory_space<vmem>>[vector<16xi32>], vector<16xf32>,
      %mul3A_53 = arith.constant 2 : i32
      %mul3A_54 = arith.muli %scan3A_29, %mul3A_53 : i32
      %add3A_55 = arith.constant 1 : i32
      %add3A_56 = arith.addi %mul3A_54, %add3A_55 : i32
      %mul3A_57 = arith.constant 16 : i32
      %mul3A_58 = arith.muli %add3A_56, %mul3A_57 : i32
      %get3A_59 = arith.index_cast %mul3A_58 : i32 to index
      %get3A_60 = tpu.vector_load %arg7[%get3A_59] {strides = array<i32>} : memref<4096xi32, #tpu.memory_space<vmem>>, vector<16xi32>,
      %gather3A_61 = tpu.vector_load_idx %arg8[%get3A_60] : memref<100000xf32, #tpu.memory_space<vmem>>[vector<16xi32>], vector<16xf32>,
      %sub3A = arith.subf %gather3A, %gather3A_43 : vector<16xf32>
      %sub3A_62 = arith.subf %gather3A_52, %gather3A_61 : vector<16xf32>
      %mul3A_63 = arith.mulf %sub3A, %sub3A : vector<16xf32>
      %add3A_64 = arith.addf %scan3A_30, %mul3A_63 : vector<16xf32>
      %mul3A_65 = arith.mulf %sub3A_62, %sub3A_62 : vector<16xf32>
      %add3A_66 = arith.addf %scan3A_31, %mul3A_65 : vector<16xf32>
      scf.yield %add3A_64, %add3A_66 : vector<16xf32>, vector<16xf32>
    }
    %scan3A_18 = arith.constant 128 : i32
    %add3A_19 = arith.constant 1 : i32
    %add3A_20 = arith.addi %mul3A_2, %add3A_19 : i32
    "tpu.region"() ({
      %run_scoped3A = tpu.sem_alloc : memref<!tpu.dma_semaphore, #tpu.memory_space<semaphore_mem>>
      %dma_start3A_29 = arith.constant 0 : i32
      %dma_start3A_30 = tpu.memref_slice %arg2[%add3A_20, %dma_start3A_29] : memref<64x100000xf32, #tpu.memory_space<hbm>> -> memref<1x100000xf32, #tpu.memory_space<hbm>>
      %dma_start3A_31 = tpu.memref_squeeze %dma_start3A_30 : memref<1x100000xf32, #tpu.memory_space<hbm>> -> memref<100000xf32, #tpu.memory_space<hbm>>
      %dma_start3A_32 = arith.constant 0 : i32
      %dma_start3A_33 = tpu.memref_slice %arg2[%add3A_20, %dma_start3A_32] : memref<64x100000xf32, #tpu.memory_space<hbm>> -> memref<1x100000xf32, #tpu.memory_space<hbm>>
      %dma_start3A_34 = tpu.memref_squeeze %dma_start3A_33 : memref<1x100000xf32, #tpu.memory_space<hbm>> -> memref<100000xf32, #tpu.memory_space<hbm>>
      tpu.enqueue_dma source(%dma_start3A_34 : memref<100000xf32, #tpu.memory_space<hbm>>) target(%arg8 : memref<100000xf32, #tpu.memory_space<vmem>>) target_semaphore(%run_scoped3A : memref<!tpu.dma_semaphore, #tpu.memory_space<semaphore_mem>>)
      %dma_wait3A_35 = arith.constant 0 : i32
      %dma_wait3A_36 = tpu.memref_slice %arg2[%add3A_20, %dma_wait3A_35] : memref<64x100000xf32, #tpu.memory_space<hbm>> -> memref<1x100000xf32, #tpu.memory_space<hbm>>
      %dma_wait3A_37 = tpu.memref_squeeze %dma_wait3A_36 : memref<1x100000xf32, #tpu.memory_space<hbm>> -> memref<100000xf32, #tpu.memory_space<hbm>>
      %dma_wait3A_38 = arith.constant 0 : i32
      %dma_wait3A_39 = tpu.memref_slice %arg2[%add3A_20, %dma_wait3A_38] : memref<64x100000xf32, #tpu.memory_space<hbm>> -> memref<1x100000xf32, #tpu.memory_space<hbm>>
      %dma_wait3A_40 = tpu.memref_squeeze %dma_wait3A_39 : memref<1x100000xf32, #tpu.memory_space<hbm>> -> memref<100000xf32, #tpu.memory_space<hbm>>
      tpu.wait_dma2 semaphore(%run_scoped3A : memref<!tpu.dma_semaphore, #tpu.memory_space<semaphore_mem>>) src(%dma_wait3A_40 : memref<100000xf32, #tpu.memory_space<hbm>>) dst(%arg8 : memref<100000xf32, #tpu.memory_space<vmem>>)
      tpu.yield
    }) : () -> ()
    %scan3A_21 = arith.constant 0 : i32
    %scan3A_22 = arith.constant 128 : i32
    %scan3A_23 = arith.addi %scan3A_21, %scan3A_22 : i32
    %scan3A_24 = arith.constant 1 : i32
    %scan3A_25:2 = scf.for %scan3A_29 = %scan3A_21 to %scan3A_23 step %scan3A_24 iter_args(%scan3A_30 = %scan3A_17#0, %scan3A_31 = %scan3A_17#1) -> (vector<16xf32>, vector<16xf32>)  : i32 {
      %mul3A_32 = arith.constant 2 : i32
      %mul3A_33 = arith.muli %scan3A_29, %mul3A_32 : i32
      %mul3A_34 = arith.constant 16 : i32
      %mul3A_35 = arith.muli %mul3A_33, %mul3A_34 : i32
      %get3A = arith.index_cast %mul3A_35 : i32 to index
      %get3A_36 = tpu.vector_load %arg6[%get3A] {strides = array<i32>} : memref<4096xi32, #tpu.memory_space<vmem>>, vector<16xi32>,
      %gather3A = tpu.vector_load_idx %arg8[%get3A_36] : memref<100000xf32, #tpu.memory_space<vmem>>[vector<16xi32>], vector<16xf32>,
      %mul3A_37 = arith.constant 2 : i32
      %mul3A_38 = arith.muli %scan3A_29, %mul3A_37 : i32
      %mul3A_39 = arith.constant 16 : i32
      %mul3A_40 = arith.muli %mul3A_38, %mul3A_39 : i32
      %get3A_41 = arith.index_cast %mul3A_40 : i32 to index
      %get3A_42 = tpu.vector_load %arg7[%get3A_41] {strides = array<i32>} : memref<4096xi32, #tpu.memory_space<vmem>>, vector<16xi32>,
      %gather3A_43 = tpu.vector_load_idx %arg8[%get3A_42] : memref<100000xf32, #tpu.memory_space<vmem>>[vector<16xi32>], vector<16xf32>,
      %mul3A_44 = arith.constant 2 : i32
      %mul3A_45 = arith.muli %scan3A_29, %mul3A_44 : i32
      %add3A_46 = arith.constant 1 : i32
      %add3A_47 = arith.addi %mul3A_45, %add3A_46 : i32
      %mul3A_48 = arith.constant 16 : i32
      %mul3A_49 = arith.muli %add3A_47, %mul3A_48 : i32
      %get3A_50 = arith.index_cast %mul3A_49 : i32 to index
      %get3A_51 = tpu.vector_load %arg6[%get3A_50] {strides = array<i32>} : memref<4096xi32, #tpu.memory_space<vmem>>, vector<16xi32>,
      %gather3A_52 = tpu.vector_load_idx %arg8[%get3A_51] : memref<100000xf32, #tpu.memory_space<vmem>>[vector<16xi32>], vector<16xf32>,
      %mul3A_53 = arith.constant 2 : i32
      %mul3A_54 = arith.muli %scan3A_29, %mul3A_53 : i32
      %add3A_55 = arith.constant 1 : i32
      %add3A_56 = arith.addi %mul3A_54, %add3A_55 : i32
      %mul3A_57 = arith.constant 16 : i32
      %mul3A_58 = arith.muli %add3A_56, %mul3A_57 : i32
      %get3A_59 = arith.index_cast %mul3A_58 : i32 to index
      %get3A_60 = tpu.vector_load %arg7[%get3A_59] {strides = array<i32>} : memref<4096xi32, #tpu.memory_space<vmem>>, vector<16xi32>,
      %gather3A_61 = tpu.vector_load_idx %arg8[%get3A_60] : memref<100000xf32, #tpu.memory_space<vmem>>[vector<16xi32>], vector<16xf32>,
      %sub3A = arith.subf %gather3A, %gather3A_43 : vector<16xf32>
      %sub3A_62 = arith.subf %gather3A_52, %gather3A_61 : vector<16xf32>
      %mul3A_63 = arith.mulf %sub3A, %sub3A : vector<16xf32>
      %add3A_64 = arith.addf %scan3A_30, %mul3A_63 : vector<16xf32>
      %mul3A_65 = arith.mulf %sub3A_62, %sub3A_62 : vector<16xf32>
      %add3A_66 = arith.addf %scan3A_31, %mul3A_65 : vector<16xf32>
      scf.yield %add3A_64, %add3A_66 : vector<16xf32>, vector<16xf32>
    }
    %scan3A_26 = arith.constant 128 : i32
    %add3A_27 = arith.addf %scan3A_25#0, %scan3A_25#1 : vector<16xf32>
    %swap3A = arith.constant 0 : index
    %swap3A_28 = tpu.vector_load %arg9[%swap3A] {strides = array<i32>} : memref<16xf32, #tpu.memory_space<vmem>>, vector<16xf32>,
    tpu.vector_store %arg9[%swap3A], %add3A_27 {strides = array<i32>} : memref<16xf32, #tpu.memory_space<vmem>>, vector<16xf32>,
    "tpu.region"() ({
      %run_scoped3A = tpu.sem_alloc : memref<!tpu.dma_semaphore, #tpu.memory_space<semaphore_mem>>
      %dma_start3A_29 = arith.constant 0 : i32
      %dma_start3A_30 = tpu.memref_slice %arg5[%add3A, %dma_start3A_29] : memref<32x16xf32, #tpu.memory_space<hbm>> -> memref<1x16xf32, #tpu.memory_space<hbm>>
      %dma_start3A_31 = tpu.memref_squeeze %dma_start3A_30 : memref<1x16xf32, #tpu.memory_space<hbm>> -> memref<16xf32, #tpu.memory_space<hbm>>
      %dma_start3A_32 = arith.constant 0 : i32
      %dma_start3A_33 = tpu.memref_slice %arg5[%add3A, %dma_start3A_32] : memref<32x16xf32, #tpu.memory_space<hbm>> -> memref<1x16xf32, #tpu.memory_space<hbm>>
      %dma_start3A_34 = tpu.memref_squeeze %dma_start3A_33 : memref<1x16xf32, #tpu.memory_space<hbm>> -> memref<16xf32, #tpu.memory_space<hbm>>
      tpu.enqueue_dma source(%arg9 : memref<16xf32, #tpu.memory_space<vmem>>) target(%dma_start3A_34 : memref<16xf32, #tpu.memory_space<hbm>>) target_semaphore(%run_scoped3A : memref<!tpu.dma_semaphore, #tpu.memory_space<semaphore_mem>>)
      %dma_wait3A_35 = arith.constant 0 : i32
      %dma_wait3A_36 = tpu.memref_slice %arg5[%add3A, %dma_wait3A_35] : memref<32x16xf32, #tpu.memory_space<hbm>> -> memref<1x16xf32, #tpu.memory_space<hbm>>
      %dma_wait3A_37 = tpu.memref_squeeze %dma_wait3A_36 : memref<1x16xf32, #tpu.memory_space<hbm>> -> memref<16xf32, #tpu.memory_space<hbm>>
      %dma_wait3A_38 = arith.constant 0 : i32
      %dma_wait3A_39 = tpu.memref_slice %arg5[%add3A, %dma_wait3A_38] : memref<32x16xf32, #tpu.memory_space<hbm>> -> memref<1x16xf32, #tpu.memory_space<hbm>>
      %dma_wait3A_40 = tpu.memref_squeeze %dma_wait3A_39 : memref<1x16xf32, #tpu.memory_space<hbm>> -> memref<16xf32, #tpu.memory_space<hbm>>
      tpu.wait_dma2 semaphore(%run_scoped3A : memref<!tpu.dma_semaphore, #tpu.memory_space<semaphore_mem>>) src(%arg9 : memref<16xf32, #tpu.memory_space<vmem>>) dst(%dma_wait3A_40 : memref<16xf32, #tpu.memory_space<hbm>>)
      tpu.yield
    }) : () -> ()
    return
  }
}

</mosaic_0001>

<sc_bundles>
// kernel: kernel.3.cloned.1.call-start
scs
__scs_entry_jumppad:
0x0: {  	(pc) =	sbr.rel $0x88, $3  }
0x1: {  	(tag) =	ssettag $0x0;
	lr =	simm.s32 $0x1  }
0x2: {  	[smem:$0x3F9E] =	sst lr;
	_ =	strace $0xD0000000  }
0x3: {  	_ = 	snop  }
0x4: {  	_ = 	snop  }
0x5: {  	_ = 	snop  }
0x6: {  	_ = 	snop  }
0x7: {  	_ = 	snop  }
__scs_overlays_trampoline_lowered:
0x8: {  	[smem:$0x3FAD] =	sst s0  }
0x9: {  	[smem:$0x3FAE] =	sst s1  }
0xa: {  	[smem:$0x3FAF] =	sst s2  }
0xb: {  	[smem:$0x3FB0] =	sst s3  }
0xc: {  	[smem:$0x3FB1] =	sst s4  }
0xd: {  	[smem:$0x3FB2] =	sst s5  }
0xe: {  	[smem:$0x3FB3] =	sst s6  }
0xf: {  	[smem:$0x3FB4] =	sst s7  }
0x10: {  	[smem:$0x3FB5] =	sst s8  }
0x11: {  	[smem:$0x3FB6] =	sst s9;
	s0 =	simm.s32 @!p0 $0x0  }
0x12: {  	s1 =	sld [smem:$0x3F9C];
	s0 =	simm.s32 @p0 $0x1  }
0x13: {  	[smem:$0x3FB7] =	sst s0;
	s0 =	simm.s32 @!p1 $0x0  }
0x14: {  	s2 =	sld [smem:$0x3F9B];
	s0 =	simm.s32 @p1 $0x1  }
0x15: {  	[smem:$0x3FB8] =	sst s0;
	s0 =	simm.s32 @!p2 $0x0  }
0x16: {  	s3 =	sld [smem:$0x3FDB];
	s0 =	simm.s32 @p2 $0x1  }
0x17: {  	s4 =	simm.s32 $0x1BF5;
	[smem:$0x3FBA] =	sst s0  }
0x18: {  	s0 =	sld [smem:$0x3F9D];
	_ =	swait.ge [sflag:s4], $0x0  }
0x19: {  	s7 =	sld [smem:$0x3F9E]  }
0x1a: {  	s8 =	sadd.s32 $0xFFFFE003, lr  }
0x1b: {  	s9 =	sadd.s32 $0xFFFFFEF7, lr;
	s5 =	simm.s32 $0xFFFFFFFF;
	p2 =	slt.u32 s8, $0xFFFFF086  }
0x1c: {  	p1 =	slt.u32 s9, $0xF7A;
	s5 =	simm.s32 @!p2 $0x0  }
0x1d: {  	s5 =	simm.s32 @p1 $0x1;
	p0 =	seq.s32 s7, s2  }
0x1e: {  	s7 =	smul.u32 @!p0 $0xF7A, s2;
	p2 =	seq.s32 @!p0 s5, $0x0  }
0x1f: {  	s9 =	smul.u32 $0xF7A, s1;
	s8 =	simm.s32 @!p0 $0x1BF5;
	p2 =	por !p2, p0  }
0x20: {  	[sflag:s8] =	ssyncset.s32 @!p0 $0xFFFFF086;
	s6 =	sadd.s32 @!p0 s3, s7;
	s7 =	simm.s32 @!p0 $0x108  }
0x21: {  	s3 =	sadd.s32 s3, s9;
	s6 =	sadd.s32 @!p0 $0x88, s6;
	s7 =	simm.s32 @p2 $0x1082  }
0x22: {  	[simem:s7], [sflag:s8] =	dma.local @!p0 [hbm:s6], $0xF7A  }
0x23: {  	s9 =	sor.u32 $0xD0000000, s2;
	s6 =	simm.s32 $0x108;
	_ =	swait.ge @!p0 [sflag:s8], $0x0  }
0x24: {  	s3 =	sadd.s32 $0x88, s3;
	s6 =	simm.s32 @!p1 $0x1082;
	[sflag:s4] =	ssyncset.s32 $0xFFFFF086  }
0x25: {  	[simem:s6], [sflag:s4] =	dma.local [hbm:s3], $0xF7A  }
0x26: {  	[smem:$0x3F9E] =	sst s1;
	(tag) =	ssettag s2;
	_ =	strace s9  }
0x27: {  	s1 =	sld [smem:$0x3FAE]  }
0x28: {  	s2 =	sld [smem:$0x3FAF]  }
0x29: {  	s4 =	sld [smem:$0x3FB1]  }
0x2a: {  	p0 =	seq.s32 s5, $0x0;
	s5 =	sld [smem:$0x3FB2]  }
0x2b: {  	s6 =	sld [smem:$0x3FB3]  }
0x2c: {  	s7 =	sld [smem:$0x3FB4]  }
0x2d: {  	s3 =	simm.s32 $0x108;
	s8 =	sld [smem:$0x3FB5]  }
0x2e: {  	s3 =	simm.s32 @!p0 $0x1082;
	s9 =	sld [smem:$0x3FB6]  }
0x2f: {  	lr =	sadd.s32 s0, s3;
	s0 =	sld [smem:$0x3FAD]  }
0x30: {  	s3 =	sld [smem:$0x3FB0]  }
0x31: {  	[smem:$0x3FB9] =	sst s10  }
0x32: {  	s10 =	sld [smem:$0x3FB7];
	_ =	sdelay $0x3  }
0x33: {  	p0 =	seq.s32 s10, $0x1;
	s10 =	sld [smem:$0x3FB9];
	_ =	sdelay $0x3  }
0x34: {  	[smem:$0x3FB9] =	sst s10  }
0x35: {  	s10 =	sld [smem:$0x3FB8];
	_ =	sdelay $0x3  }
0x36: {  	p1 =	seq.s32 s10, $0x1;
	s10 =	sld [smem:$0x3FB9];
	_ =	sdelay $0x3  }
0x37: {  	[smem:$0x3FB9] =	sst s10  }
0x38: {  	s10 =	sld [smem:$0x3FBA]  }
0x39: {  	_ = 	snop;
	(pc) =	sbr.ind lr, $3  }
0x3a: {  	_ = 	snop  }
0x3b: {  	_ = 	snop  }
0x3c: {  	p2 =	seq.s32 s10, $0x1;
	s10 =	sld [smem:$0x3FB9]  }
0x3d: {  	_ =	shalt  }
0x3e: {  	_ =	shalt  }
0x3f: {  	_ =	shalt  }
0x40: {  	_ =	shalt  }
0x41: {  	_ =	shalt  }
0x42: {  	_ =	shalt  }
0x43: {  	_ =	shalt  }
0x44: {  	_ =	shalt  }
0x45: {  	_ =	shalt  }
0x46: {  	_ =	shalt  }
0x47: {  	_ =	shalt  }
0x48: {  	_ =	shalt  }
0x49: {  	_ =	shalt  }
0x4a: {  	_ =	shalt  }
0x4b: {  	_ =	shalt  }
0x4c: {  	_ =	shalt  }
0x4d: {  	_ =	shalt  }
0x4e: {  	_ =	shalt  }
0x4f: {  	_ =	shalt  }
0x50: {  	_ =	shalt  }
0x51: {  	_ =	shalt  }
0x52: {  	_ =	shalt  }
0x53: {  	_ =	shalt  }
0x54: {  	_ =	shalt  }
0x55: {  	_ =	shalt  }
0x56: {  	_ =	shalt  }
0x57: {  	_ =	shalt  }
0x58: {  	_ =	shalt  }
0x59: {  	_ =	shalt  }
0x5a: {  	_ =	shalt  }
0x5b: {  	_ =	shalt  }
0x5c: {  	_ =	shalt  }
0x5d: {  	_ =	shalt  }
0x5e: {  	_ =	shalt  }
0x5f: {  	_ =	shalt  }
0x60: {  	_ =	shalt  }
0x61: {  	_ =	shalt  }
0x62: {  	_ =	shalt  }
0x63: {  	_ =	shalt  }
0x64: {  	_ =	shalt  }
0x65: {  	_ =	shalt  }
0x66: {  	_ =	shalt  }
0x67: {  	_ =	shalt  }
0x68: {  	_ =	shalt  }
0x69: {  	_ =	shalt  }
0x6a: {  	_ =	shalt  }
0x6b: {  	_ =	shalt  }
0x6c: {  	_ =	shalt  }
0x6d: {  	_ =	shalt  }
0x6e: {  	_ =	shalt  }
0x6f: {  	_ =	shalt  }
0x70: {  	_ =	shalt  }
0x71: {  	_ =	shalt  }
0x72: {  	_ =	shalt  }
0x73: {  	_ =	shalt  }
0x74: {  	_ =	shalt  }
0x75: {  	_ =	shalt  }
0x76: {  	_ =	shalt  }
0x77: {  	_ =	shalt  }
0x78: {  	_ =	shalt  }
0x79: {  	_ =	shalt  }
0x7a: {  	_ =	shalt  }
0x7b: {  	_ =	shalt  }
0x7c: {  	_ =	shalt  }
0x7d: {  	_ =	shalt  }
0x7e: {  	_ =	shalt  }
0x7f: {  	_ =	shalt  }
0x80: {  	_ =	shalt  }
0x81: {  	_ =	shalt  }
0x82: {  	_ =	shalt  }
0x83: {  	_ =	shalt  }
0x84: {  	_ =	shalt  }
0x85: {  	_ =	shalt  }
0x86: {  	_ =	shalt  }
0x87: {  	_ =	shalt  }
.Lfunc_end0:
.L_simem_size_0:
called_computation_lowered:
.L_overlay_start_0:
0x88: {  	s2 =	sld [smem:$0x3FD9]  }
0x89: {  	s3 =	sld [smem:$0x3FFE];
	_ =	sdelay $0x1  }
0x8a: {  	s1 =	srdreg.scid  }
0x8b: {  	s0 =	sand.u32 $0x1, s1  }
0x8c: {  	s17 =	sshll.u32 s0, $0xA;
	s2 =	sadd.s32 s3, s2  }
0x8d: {  	s2 =	sadd.s32 s2, s17  }
0x8e: {  	[smem:$0x3FC5] =	sst s2  }
0x8f: {  	_ = 	snop  }
0x90: {  	s2 =	sld [smem:$0x3FC9]  }
0x91: {  	s18 =	sld [smem:$0x3FC8]  }
0x92: {  	s4 =	sld [smem:$0x3FC7];
	(tm) =	ssettm $0x1  }
0x93: {  	s5 =	sld [smem:$0x3FFB];
	_ =	sdelay $0x3  }
0x94: {  	_ =	strace s5  }
0x95: {  	s5 =	sld [smem:$0x3FFC];
	_ =	sdelay $0x3  }
0x96: {  	_ =	strace s5  }
0x97: {  	s5 =	sld [smem:$0x3FFD];
	_ =	sdelay $0x3  }
0x98: {  	_ =	strace s5  }
0x99: {  	_ =	strace $0x8FFFFFFF  }
0x9a: {  	s19 =	sld [smem:$0x3FDB];
	_ =	sdelay $0x1  }
0x9b: {  	s6 =	simm.s32 $_scs_section_size  }
0x9c: {  	s7 =	simm.s32 $_size__tile_overlayer_lowered;
	s8 =	simm.s32 $_tile_overlayer_lowered  }
0x9d: {  	s22 =	simm.s32 $0x1BFF;
	s21 =	sshll.u32 s8, $0x1;
	s5 =	sadd.s32 s6, s19  }
0x9e: {  	s9 =	simm.s32 $0x0;
	s20 =	sshll.u32 s7, $0x1;
	s7 =	sadd.s32 s21, s5  }
0x9f: {  	[timem:s9], [sflag:s22] =	dma.local [hbm:s7], s20  }
0xa0: {  	_ =	swait.ge [sflag:s22], s20  }
0xa1: {  	s6 =	ssub.s32 $0x0, s20;
	[sflag:s22] =	ssyncset.done $0x0  }
0xa2: {  	[sflag:s22] =	ssyncadd.s32 s6;
	_ =	sdelay $0x1  }
0xa3: {  	s23 =	simm.s32 $0x1B8B  }
0xa4: {  	_ =	swait.ge [sflag:s23], $0x1  }
0xa5: {  	[sflag:s23] =	ssyncset.done $0x0  }
0xa6: {  	s25 =	simm.s32 $0x1B8E;
	s24 =	sld [smem:$0x3FFE];
	[sflag:s23] =	ssyncadd.s32 $0xFFFFFFFF  }
0xa7: {  	s26 =	simm.s32 $execute0_lowered;
	[smem:$0x3FD2] =	sst s25  }
0xa8: {  	s7 =	sshll.u32 s26, $0x1;
	_ =	strace $0x80000046;
	[dreg:$0x1] =	wrdreg $0xFFFFFFFF  }
0xa9: {  	s28 =	simm.s32 $_size_execute0_lowered;
	s5 =	sadd.s32 s5, s7;
	[dreg:$0x0] =	wrdreg $0x0  }
0xaa: {  	s7 =	sshll.u32 s28, $0x1;
	[dreg:$0x2] =	wrdreg s5  }
0xab: {  	[dreg:$0x3] =	wrdreg s7  }
0xac: {  	[dreg:$0x4] =	wrdreg $0xC0  }
0xad: {  	_ =	task [dreg:s9], $0x5FFFF  }
0xae: {  	[dreg:$0x1] =	wrdreg $0xFFFFFFFF  }
0xaf: {  	[dreg:$0x0] =	wrdreg $0x60  }
0xb0: {  	[dreg:$0x2] =	wrdreg s4  }
0xb1: {  	[dreg:$0x3] =	wrdreg s2  }
0xb2: {  	[dreg:$0x4] =	wrdreg s18  }
0xb3: {  	[dreg:$0x5] =	wrdreg s24  }
0xb4: {  	[dreg:$0x6] =	wrdreg $0x9  }
0xb5: {  	_ =	task.clear_ibuf [dreg:s9], $0x7FFFF;
	_ =	strace $0x90000046  }
0xb6: {  	s29 =	simm.s32 $0x9;
	_ =	strace $0x80000048  }
0xb7: {  	_ =	swait.ge [sflag:s29], $0x1  }
0xb8: {  	[sflag:s29] =	ssyncadd.s32 $0xFFFFFFFF  }
0xb9: {  	_ =	strace $0x90000048  }
0xba: {  	_ =	sfence  }
0xbb: {  	s30 =	sld [smem:$0x0];
	_ =	sdelay $0x2  }
0xbc: {  	s31 =	sshll.u32 s1, $0xD;
	s1 =	sshrl.u32 s1, $0x2  }
0xbd: {  	s3 =	sand.u32 $0x4000, s31;
	s1 =	sadd.s32 s1, s30  }
0xbe: {  	s0 =	sor.u32 s3, s0;
	s1 =	sshll.u32 s1, $0x11  }
0xbf: {  	s0 =	sor.u32 s1, s0  }
0xc0: {  	s0 =	sadd.s32 $0x8F2B, s0  }
0xc1: {  	[sflag:s0] =	ssyncadd.remote.s32 $0x1  }
0xc2: {  	_ =	sfence.sel $0xFFFF  }
0xc3: {  	[dreg:$0x0] =	wrdreg $0xFFFFFFFF;
	(pc) =	sbr.abs _section_cstart, $3  }
0xc4: {  	[dreg:$0x1] =	wrdreg $0xFFFFFFFF  }
0xc5: {  	_ =	task.clear_ibuf [dreg:s9], $0x2FFFF;
	_ =	strace $0x9FFFFFFF  }
0xc6: {  	(tm) =	ssettm $0x7FFFFFFF  }
0xc7: {  	_ =	shalt  }
tec
execute0_lowered:
.L_overlay_start_1:
0x0: {  	(tag) =	ssettag $0x1  }
0x1: {  	s5 =	rddreg [dreg:$0x0]  }
0x2: {  	s2 =	srdreg.scid;
	s1 =	rddreg [dreg:$0x1]  }
0x3: {  	s0 =	stileid.u32;
	s3 =	rddreg [dreg:$0x2]  }
0x4: {  	s8 =	rddreg [dreg:$0x3];
	s4 =	simm.s32 $0x0;
	s11 =	simm.s32 $0x2000  }
0x5: {  	s12 =	simm.s32 $0x2;
	s13 =	simm.s32 $0x1000;
	s14 =	simm.s32 $0x1  }
0x6: {  	s15 =	simm.s32 $0x1A700;
	s6 =	sand.u32 $0x1, s2;
	s28 =	sshll.u32 s0, $0x1  }
0x7: {  	s16 =	simm.s32 $0x0;
	s29 =	sshrl.u32 s0, $0x1;
	s7 =	sor.u32 s6, s28  }
0x8: {  	s2 =	rddreg [dreg:$0x4];
	s9 =	smul.u32 $0xC3800, s29;
	s10 =	sshll.u32 s7, $0x8  }
0x9: {  	[smem:$0x7FF] =	sst s4;
	s6 =	ssub.s32 $0x2, s6;
	s10 =	sand.u32 $0x300, s10  }
0xa: {  	_ =	strace $0x80000047;
	s30 =	sshrl.u32 s6, $0x1;
	s9 =	sor.u32 s9, s10  }
0xb: {  	s7 =	sshll.u32 s7, $0x4;
	s31 =	ssub.s32 s6, s30;
	s9 =	sshrl.u32 s9, $0x3  }
0xc: {  	s7 =	sadd.s32 s8, s7;
	s8 =	smax.u32 s31, $0x1;
	s5 =	sadd.s32 s5, s9  }
0xd: {  	s10 =	simm.s32 $0x400;
	s9 =	simm.s32 $0x80;
	s6 =	sadd.s32 $0x10, s5  }
.LBB2_1:
0xe: {  	[tilespmem:s11], [sflag:$0x1] =	stream.strided.gather [hbm4b:s5+s9], $0x18700, s10, s9, $0x38;
	[tilespmem:$0x1A780] =	vst v63  }
0xf: {  	_ = 	snop  }
0x10: {  	[tilespmem:s4], [sflag:$0x2] =	stream.linear.gather [hbm4b:s1+s4], $0x1000, $0x38;
	[tilespmem:$0x1A780] =	vst v63  }
0x11: {  	_ =	swait.ge [sflag:s12], $0x1000  }
0x12: {  	[sflag:s12] =	ssyncset.done $0x0  }
0x13: {  	[sflag:s12] =	ssyncadd.s32 $0xFFFFF000  }
0x14: {  	[tilespmem:s13], [sflag:$0x2] =	stream.linear.gather [hbm4b:s3+s4], $0x1000, $0x38;
	[tilespmem:$0x1A780] =	vst v63  }
0x15: {  	_ =	swait.ge [sflag:s12], $0x1000  }
0x16: {  	[sflag:s12] =	ssyncset.done $0x0  }
0x17: {  	[sflag:s12] =	ssyncadd.s32 $0xFFFFF000  }
0x18: {  	_ =	swait.ge [sflag:s14], $0x18700  }
0x19: {  	[sflag:s14] =	ssyncset.done $0x0  }
0x1a: {  	s17 =	simm.s32 $0x0;
	[sflag:s14] =	ssyncadd.s32 $0xFFFE7900  }
0x1b: {  	v0 =	vld [tilespmem:s17+$0x10]  }
0x1c: {  	v1 =	vld [tilespmem:s17+$0x1010];
	_ =	sdelay $0x1  }
0x1d: {  	v2 =	vld [tilespmem:s17+$0x0]  }
0x1e: {  	s31 =	simm.s32 $0x20;
	v4 =	vld [tilespmem:s17+$0x1000]  }
0x1f: {  	v5 =	vld [tilespmem:s31+$0x10]  }
0x20: {  	v3 =	vld [tilespmem:s31+$0x1010]  }
0x21: {  	v8 =	vld [tilespmem:s31+$0x0]  }
0x22: {  	v6 =	vld.idx.msk [tilespmem:v0+s11+$0x0], $0xffff  }
0x23: {  	v1 =	vld.idx.msk [tilespmem:v1+s11+$0x0], $0xffff  }
0x24: {  	v9 =	vld [tilespmem:s31+$0x1000];
	s17 =	simm.s32 $0x40  }
0x25: {  	v10 =	vld [tilespmem:s17+$0x10]  }
0x26: {  	v2 =	vld.idx.msk [tilespmem:v2+s11+$0x0], $0xffff  }
0x27: {  	v4 =	vld.idx.msk [tilespmem:v4+s11+$0x0], $0xffff  }
0x28: {  	v7 =	vld [tilespmem:s17+$0x1010];
	v6 =	vsub.f32 v6, v1  }
0x29: {  	s18 =	simm.s32 $0x180;
	v0 =	vimm.f32 $0.0e+00;
	v5 =	vld.idx.msk [tilespmem:v5+s11+$0x0], $0xffff;
	v1 =	vimm.f32 $0.0e+00  }
.LBB2_2:
0x2a: {  	p0 =	sne.s32 s18, $0x3F80;
	v11 =	vld.idx.msk [tilespmem:v3+s11+$0x0], $0xffff;
	v15 =	vmul.f32 v6, v6  }
0x2b: {  	v12 =	vld [tilespmem:s17+$0x0]  }
0x2c: {  	v6 =	vsub.f32 v2, v4;
	v13 =	vld [tilespmem:s17+$0x1000];
	v0 =	vadd.f32 v15, v0;
	v14 =	vmov v10  }
.Ltmp0:
0x2d: {  	v2 =	vld.idx.msk [tilespmem:v8+s11+$0x0], $0xffff;
	v3 =	vmov v7;
	(pc) =	sbr.rel @p0 .LBB2_2-.Ltmp0, $4  }
0x2e: {  	s17 =	sshra.s32 s18, $0x2;
	v15 =	vmul.f32 v6, v6;
	v4 =	vld.idx.msk [tilespmem:v9+s11+$0x0], $0xffff  }
0x2f: {  	v10 =	vld [tilespmem:s17+$0x10]  }
0x30: {  	v6 =	vsub.f32 v5, v11;
	v1 =	vadd.f32 v15, v1;
	v7 =	vld [tilespmem:s17+$0x1010];
	v8 =	vmov v12  }
0x31: {  	s18 =	sadd.s32 $0x80, s18;
	v5 =	vld.idx.msk [tilespmem:v14+s11+$0x0], $0xffff;
	v9 =	vmov v13  }
0x32: {  	_ = 	snop  }
0x33: {  	v11 =	vld [tilespmem:s17+$0x0]  }
0x34: {  	v12 =	vld [tilespmem:s17+$0x1000];
	_ =	sdelay $0x1  }
0x35: {  	v13 =	vld.idx.msk [tilespmem:v3+s11+$0x0], $0xffff  }
0x36: {  	v8 =	vld.idx.msk [tilespmem:v8+s11+$0x0], $0xffff  }
0x37: {  	v9 =	vld.idx.msk [tilespmem:v9+s11+$0x0], $0xffff  }
0x38: {  	v10 =	vld.idx.msk [tilespmem:v10+s11+$0x0], $0xffff  }
0x39: {  	v7 =	vld.idx.msk [tilespmem:v7+s11+$0x0], $0xffff  }
0x3a: {  	v11 =	vld.idx.msk [tilespmem:v11+s11+$0x0], $0xffff  }
0x3b: {  	v12 =	vld.idx.msk [tilespmem:v12+s11+$0x0], $0xffff;
	[tilespmem:s11], [sflag:$0x2] =	stream.strided.gather [hbm4b:s6+s9], $0x18700, s10, s9, $0x38  }
0x3c: {  	_ =	swait.ge [sflag:s12], $0x18700  }
0x3d: {  	[sflag:s12] =	ssyncset.done $0x0  }
0x3e: {  	s30 =	simm.s32 $0x0;
	[sflag:s12] =	ssyncadd.s32 $0xFFFE7900  }
0x3f: {  	v14 =	vld [tilespmem:s30+$0x10]  }
0x40: {  	v15 =	vld [tilespmem:s30+$0x1010];
	_ =	sdelay $0x1  }
0x41: {  	v16 =	vld [tilespmem:s30+$0x0]  }
0x42: {  	s31 =	simm.s32 $0x20;
	v17 =	vld [tilespmem:s30+$0x1000]  }
0x43: {  	v2 =	vsub.f32 v2, v4;
	v18 =	vld [tilespmem:s31+$0x10]  }
0x44: {  	v3 =	vld [tilespmem:s31+$0x1010]  }
0x45: {  	v2 =	vmul.f32 v2, v2;
	v8 =	vsub.f32 v8, v9;
	v4 =	vld [tilespmem:s31+$0x0]  }
0x46: {  	v6 =	vmul.f32 v6, v6;
	v5 =	vsub.f32 v5, v13;
	v14 =	vld.idx.msk [tilespmem:v14+s11+$0x0], $0xffff  }
0x47: {  	v1 =	vadd.f32 v2, v1;
	v8 =	vmul.f32 v8, v8;
	v63 =	vld.idx.msk [tilespmem:v15+s11+$0x0], $0xffff  }
0x48: {  	s17 =	simm.s32 $0x40;
	v0 =	vadd.f32 v6, v0;
	v6 =	vmul.f32 v5, v5;
	v5 =	vld [tilespmem:s31+$0x1000];
	v9 =	vsub.f32 v11, v12  }
0x49: {  	v7 =	vsub.f32 v10, v7;
	v1 =	vadd.f32 v8, v1;
	v8 =	vld [tilespmem:s17+$0x10]  }
0x4a: {  	v10 =	vmul.f32 v9, v9;
	v2 =	vld.idx.msk [tilespmem:v16+s11+$0x0], $0xffff  }
0x4b: {  	v0 =	vadd.f32 v6, v0;
	v7 =	vmul.f32 v7, v7;
	v6 =	vld.idx.msk [tilespmem:v17+s11+$0x0], $0xffff  }
0x4c: {  	v9 =	vld [tilespmem:s17+$0x1010];
	v1 =	vadd.f32 v10, v1;
	v10 =	vsub.f32 v14, v63  }
0x4d: {  	s18 =	simm.s32 $0x180;
	v0 =	vadd.f32 v7, v0;
	v7 =	vld.idx.msk [tilespmem:v18+s11+$0x0], $0xffff  }
.LBB2_4:
0x4e: {  	p0 =	sne.s32 s18, $0x3F80;
	v11 =	vld.idx.msk [tilespmem:v3+s11+$0x0], $0xffff;
	v15 =	vmul.f32 v10, v10  }
0x4f: {  	v12 =	vld [tilespmem:s17+$0x0]  }
0x50: {  	v10 =	vsub.f32 v2, v6;
	v13 =	vld [tilespmem:s17+$0x1000];
	v0 =	vadd.f32 v15, v0;
	v14 =	vmov v8  }
.Ltmp1:
0x51: {  	v2 =	vld.idx.msk [tilespmem:v4+s11+$0x0], $0xffff;
	v3 =	vmov v9;
	(pc) =	sbr.rel @p0 .LBB2_4-.Ltmp1, $4  }
0x52: {  	s17 =	sshra.s32 s18, $0x2;
	v15 =	vmul.f32 v10, v10;
	v6 =	vld.idx.msk [tilespmem:v5+s11+$0x0], $0xffff  }
0x53: {  	v8 =	vld [tilespmem:s17+$0x10]  }
0x54: {  	v10 =	vsub.f32 v7, v11;
	v1 =	vadd.f32 v15, v1;
	v9 =	vld [tilespmem:s17+$0x1010];
	v4 =	vmov v12  }
0x55: {  	s18 =	sadd.s32 $0x80, s18;
	v7 =	vld.idx.msk [tilespmem:v14+s11+$0x0], $0xffff;
	v5 =	vmov v13  }
0x56: {  	_ = 	snop  }
0x57: {  	v11 =	vld [tilespmem:s17+$0x0]  }
0x58: {  	v12 =	vld [tilespmem:s17+$0x1000];
	_ =	sdelay $0x1  }
0x59: {  	v3 =	vld.idx.msk [tilespmem:v3+s11+$0x0], $0xffff  }
0x5a: {  	v4 =	vld.idx.msk [tilespmem:v4+s11+$0x0], $0xffff  }
0x5b: {  	v5 =	vld.idx.msk [tilespmem:v5+s11+$0x0], $0xffff  }
0x5c: {  	v8 =	vld.idx.msk [tilespmem:v8+s11+$0x0], $0xffff  }
0x5d: {  	v9 =	vld.idx.msk [tilespmem:v9+s11+$0x0], $0xffff  }
0x5e: {  	v11 =	vld.idx.msk [tilespmem:v11+s11+$0x0], $0xffff  }
0x5f: {  	v2 =	vsub.f32 v2, v6;
	v57 =	vld.idx.msk [tilespmem:v12+s11+$0x0], $0xffff;
	_ =	sdelay $0x1  }
0x60: {  	v10 =	vmul.f32 v10, v10;
	v2 =	vmul.f32 v2, v2;
	v3 =	vsub.f32 v7, v3  }
0x61: {  	v4 =	vsub.f32 v4, v5  }
0x62: {  	v0 =	vadd.f32 v10, v0;
	v1 =	vadd.f32 v2, v1;
	v58 =	vmul.f32 v3, v3  }
0x63: {  	v59 =	vmul.f32 v4, v4;
	v60 =	vsub.f32 v8, v9;
	v61 =	vsub.f32 v11, v57  }
0x64: {  	v0 =	vadd.f32 v58, v0  }
0x65: {  	v1 =	vadd.f32 v59, v1;
	v62 =	vmul.f32 v60, v60;
	v63 =	vmul.f32 v61, v61;
	_ =	sdelay $0x1  }
0x66: {  	v0 =	vadd.f32 v62, v0;
	v1 =	vadd.f32 v63, v1;
	_ =	sdelay $0x1  }
0x67: {  	s16 =	sadd.s32 $0x1, s16;
	v0 =	vadd.f32 v0, v1  }
0x68: {  	p0 =	sne.s32 s16, s8  }
.Ltmp2:
0x69: {  	[tilespmem:$0x1A700] =	vst v0;
	(pc) =	sbr.rel @p0 .LBB2_1-.Ltmp2, $4  }
0x6a: {  	[hbm4b:s7+s4] =	stream.linear.scatter [tilespmem:s15], [sflag:$0x2], $0x80, $0x38;
	[tilespmem:$0x1A780] =	vst v63  }
0x6b: {  	_ =	swait.ge [sflag:s12], $0x80  }
0x6c: {  	[sflag:s12] =	ssyncset.done $0x0  }
0x6d: {  	[sflag:s12] =	ssyncadd.s32 $0xFFFFFF80  }
0x6e: {  	_ =	sfence.sel $0x180000  }
0x6f: {  	[bflag:$0x0] =	sbarrier.arrive $0xFFFF  }
0x70: {  	p0 =	sne.s32 s0, $0x0;
	_ =	strace $0x90000047  }
0x71: {  	s0 =	sadd.s32 @!p0 $0x100000, s2;
	[bflag:$0x2] =	sbarrier.arrive $0xFFFF  }
0x72: {  	[sflag:s0] =	ssyncadd.tile.s32 @!p0 $0x1;
	_ =	shalt  }
.Lfunc_end2:
_tile_overlayer_lowered:
.L_overlay_start_2:
0x73: {  	(tag) =	ssettag $0x2  }
0x74: {  	s0 =	rddreg [dreg:$0x0];
	s2 =	stileid.u32  }
0x75: {  	s1 =	rddreg [dreg:$0x1];
	p0 =	sne.s32 s2, $0x0  }
0x76: {  	s3 =	rddreg [dreg:$0x2];
	[bflag:$0x3] =	sbarrier.arrive $0xFFFF;
	s2 =	simm.s32 @!p0 $0x1C02  }
0x77: {  	[timem:s3], [sflag:s2] =	dma.local @!p0 [hbm:s0], s1  }
0x78: {  	s0 =	simm.s32 @!p0 $0x2  }
0x79: {  	_ =	swait.ge @!p0 [sflag:s0], s1  }
0x7a: {  	s1 =	ssub.s32 @!p0 $0x0, s1;
	[sflag:s0] =	ssyncset.done @!p0 $0x0  }
0x7b: {  	[sflag:s0] =	ssyncadd.s32 @!p0 s1  }
0x7c: {  	[bflag:$0x3] =	sbarrier.arrive $0xFFFF  }
0x7d: {  	_ =	shalt  }

</sc_bundles>
